<compile_context>
chip_gen: v7x
topology: tpu7x:2x2x1
jax: 0.10.2.dev20260603
libtpu: 0.0.44.dev20260713+nightly
codegen_flags: <defaults>
</compile_context>

<pallas_src>
import functools

import jax
import jax.numpy as jnp
from jax import lax
from jax.experimental import pallas as pl
from jax.experimental.pallas import tpu as pltpu
from jax.experimental.pallas import tpu_sc as plsc

_MIN_RES = 16
_MAX_RES = 1024
_HASH_PRIME = 19349663
_L = 16


def kernel(x, kernel):
    num_levels, T, F = kernel.shape
    table_flat = (kernel.reshape(num_levels, T // 128, 128, F)
                  .transpose(0, 1, 3, 2).reshape(-1))

    b = jnp.exp((jnp.log(float(_MAX_RES)) - jnp.log(float(_MIN_RES)))
                / (num_levels - 1))
    n_levels = jnp.int32(jnp.floor(_MIN_RES * b ** jnp.arange(1, num_levels + 1)))
    n_dup = jnp.repeat(n_levels, F).astype(jnp.float32)

    mesh = plsc.VectorSubcoreMesh(core_axis_name="c", subcore_axis_name="s",
                                  num_cores=1, num_subcores=1)

    @functools.partial(
        pl.kernel,
        mesh=mesh,
        out_type=jax.ShapeDtypeStruct((num_levels * F,), jnp.float32),
        scratch_types=[
            pltpu.VMEM((_L,), jnp.float32),
            pltpu.VMEM((2 * _L,), jnp.float32),
            pltpu.VMEM((8 * _L,), jnp.int32),
            pltpu.VMEM((8 * _L,), jnp.float32),
            pltpu.VMEM((2 * _L,), jnp.float32),
            pltpu.SemaphoreType.DMA,
            pltpu.SemaphoreType.DMA,
        ],
    )
    def sc_kernel(x_hbm, n_hbm, table_hbm, out_hbm,
                  x_v, n_v, idx_v, elems_v, out_v, gsem, xsem):
        xcopy = pltpu.async_copy(x_hbm, x_v.at[pl.ds(0, 2)], xsem)
        ncopy = pltpu.async_copy(n_hbm, n_v, gsem)

        lane = jnp.arange(_L, dtype=jnp.int32)
        jlane = lane >> 1
        fpar = lane & 1
        mask = jnp.int32(T - 1)
        prime = jnp.int32(_HASH_PRIME)
        ebases = [(jlane + jnp.int32(8 * o)) * jnp.int32(T * F) + (fpar << 7)
                  for o in range(2)]

        ncopy.wait()
        nd_fs = [n_v[pl.ds(0, _L)], n_v[pl.ds(_L, _L)]]

        xcopy.wait()
        xw = x_v[...]
        dn = lax.GatherDimensionNumbers(offset_dims=(), collapsed_slice_dims=(0,),
                                        start_index_map=(0,))
        x0 = lax.gather(xw, jnp.zeros((_L, 1), jnp.int32), dn, slice_sizes=(1,),
                        mode=lax.GatherScatterMode.PROMISE_IN_BOUNDS)
        x1 = lax.gather(xw, jnp.ones((_L, 1), jnp.int32), dn, slice_sizes=(1,),
                        mode=lax.GatherScatterMode.PROMISE_IN_BOUNDS)

        xls = []
        for o in range(2):
            xl0 = (x0 * nd_fs[o]).astype(jnp.int32)
            xl1 = (x1 * nd_fs[o]).astype(jnp.int32)
            xls.append((xl0, xl1))

            hy0 = xl1 * prime
            hy1 = (xl1 + 1) * prime
            h00 = (xl0 ^ hy0) & mask
            h01 = (xl0 ^ hy1) & mask
            h10 = ((xl0 + 1) ^ hy0) & mask
            h11 = ((xl0 + 1) ^ hy1) & mask
            eb = ebases[o]
            idx_v[pl.ds((0 + o) * _L, _L)] = eb + ((h00 >> 7) << 8) + (h00 & 127)
            idx_v[pl.ds((2 + o) * _L, _L)] = eb + ((h01 >> 7) << 8) + (h01 & 127)
            idx_v[pl.ds((4 + o) * _L, _L)] = eb + ((h10 >> 7) << 8) + (h10 & 127)
            idx_v[pl.ds((6 + o) * _L, _L)] = eb + ((h11 >> 7) << 8) + (h11 & 127)

        gather = pltpu.async_copy(table_hbm.at[idx_v], elems_v, gsem)

        weights = []
        for o in range(2):
            xl0, xl1 = xls[o]
            grid = 1.0 / nd_fs[o]
            vmin0 = xl0.astype(jnp.float32) * grid
            vmin1 = xl1.astype(jnp.float32) * grid
            vmax0 = vmin0 + grid
            vmax1 = vmin1 + grid
            d0 = vmax0 - vmin0
            d1 = vmax1 - vmin1
            weights.append(((vmax0 - x0) / d0, (x0 - vmin0) / d0,
                            (vmax1 - x1) / d1, (x1 - vmin1) / d1))

        gather.wait()
        for o in range(2):
            w1x, w2x, w1y, w2y = weights[o]
            f00 = elems_v[pl.ds((0 + o) * _L, _L)]
            f01 = elems_v[pl.ds((2 + o) * _L, _L)]
            f10 = elems_v[pl.ds((4 + o) * _L, _L)]
            f11 = elems_v[pl.ds((6 + o) * _L, _L)]
            out_v[pl.ds(o * _L, _L)] = (w1y * (w1x * f00 + w2x * f10)
                                        + w2y * (w1x * f01 + w2x * f11))

        pltpu.sync_copy(out_v, out_hbm)

    return sc_kernel(x, n_dup, table_flat)

# --- scband reference (transcript-rebuilt; emitter-appended) ---
"""Pipeline reference for scband-multires-enc-82403242541324 (READ-ONLY COPY).

The authoritative reference and input builder live on the scoring server;
editing this copy changes nothing except your own understanding.
"""

import jax, jax.numpy as jnp
import numpy as np
from jax import lax, vmap

NUM_LEVELS = 16
MIN_RES = 16
MAX_RES = 1024
NUM_HASH_SLOTS = 524288
NUM_HASH_FEATURES = 2

BOX_OFFSETS = [jnp.array([[0], [1]], dtype=jnp.int32),
               jnp.array([[i, j] for i in [0, 1] for j in [0, 1]], dtype=jnp.int32)]


def bilinear_interp(x, vertex_features, voxel_min_vertex, voxel_max_vertex):
    w1 = (voxel_max_vertex - x) / (voxel_max_vertex - voxel_min_vertex)
    w2 = (x - voxel_min_vertex) / (voxel_max_vertex - voxel_min_vertex)
    f1 = w1[0] * vertex_features[0, :] + w2[0] * vertex_features[2, :]
    f2 = w1[0] * vertex_features[1, :] + w2[0] * vertex_features[3, :]
    interp_val = w1[1] * f1 + w2[1] * f2
    return interp_val


def encode_vertex(v, T):
    dim = v.shape[0]
    primes = jnp.int32(jnp.array([1, 19349663, 915850651, 2147483647]))[:dim]

    def hash_fn(carry, i):
        carry = jnp.bitwise_xor(v[i] * primes[i], carry)
        return (carry, None)

    res, _ = lax.scan(hash_fn, jnp.int32(0), jnp.arange(dim))
    return jnp.mod(res, T)


def get_vertex_features(w, rows, i):
    return w[i, rows, :]


def get_voxel_vertices(x, n):
    dim = x.shape[0]
    grid_size = 1.0 / n
    xl = jnp.int32(jnp.floor(x * n))
    voxel_min_vertex = xl * grid_size
    voxel_max_vertex = voxel_min_vertex + jnp.ones(dim) * grid_size
    voxel_indices = xl + BOX_OFFSETS[dim - 1]
    return (voxel_indices, voxel_min_vertex, voxel_max_vertex)


def setup_inputs(seed: int = 0):
    key = jax.random.key(seed)
    k1, k2 = jax.random.split(key)
    x = jax.random.uniform(k1, (2,), dtype=jnp.float32)
    kernel = jax.random.uniform(k2, (NUM_LEVELS, NUM_HASH_SLOTS, NUM_HASH_FEATURES),
                                minval=-1e-4, maxval=1e-4, dtype=jnp.float32)
    return {"x": x, "kernel": kernel}


def reference(x, kernel):
    num_levels = kernel.shape[0]
    T = kernel.shape[1]
    b = jnp.exp((jnp.log(float(MAX_RES)) - jnp.log(float(MIN_RES))) / (num_levels - 1))
    N = jnp.int32(jnp.floor(MIN_RES * b ** jnp.arange(1, num_levels + 1)))
    voxel_indices, voxel_min_vertex, voxel_max_vertex = vmap(get_voxel_vertices, in_axes=(None, 0))(x, N)
    vertex_encodings = vmap(vmap(encode_vertex, in_axes=(0, None)), in_axes=(0, None))(voxel_indices, T)
    vertex_features = vmap(get_vertex_features, in_axes=(None, 0, 0))(kernel, vertex_encodings, jnp.arange(num_levels))
    out = vmap(bilinear_interp, in_axes=(None, 0, 0, 0))(x, vertex_features, voxel_min_vertex, voxel_max_vertex)
    return out.flatten()

if __name__ == "__main__":
    import jax
    _d = setup_inputs()
    print(jax.jit(kernel)(*tuple(_d.values())))

</pallas_src>

<mosaic_0001>
#map = affine_map<(d0, d1) -> (0)>
module attributes {stable_mosaic.version = 14 : i64} {
  func.func @sc_kernel(%arg0: i32, %arg1: i32, %arg2: memref<2xf32, #tpu.memory_space<hbm>>, %arg3: memref<32xf32, #tpu.memory_space<hbm>>, %arg4: memref<16777216xf32, #tpu.memory_space<hbm>>, %arg5: memref<32xf32, #tpu.memory_space<hbm>>, %arg6: memref<16xf32, #tpu.memory_space<vmem>>, %arg7: memref<32xf32, #tpu.memory_space<vmem>>, %arg8: memref<128xi32, #tpu.memory_space<vmem>>, %arg9: memref<128xf32, #tpu.memory_space<vmem>>, %arg10: memref<32xf32, #tpu.memory_space<vmem>>, %arg11: memref<!tpu.dma_semaphore, #tpu.memory_space<semaphore_mem>>, %arg12: memref<!tpu.dma_semaphore, #tpu.memory_space<semaphore_mem>>) attributes {dimension_semantics = [#tpu.dimension_semantics<core_parallel>, #tpu.dimension_semantics<subcore_parallel>], iteration_bounds = array<i64: 1, 1>, scalar_prefetch = 0 : i64, scratch_operands = 7 : i64, tpu.core_type = #tpu.core_type<sc_vector_subcore>, window_params = [{transform_indices = #map}, {transform_indices = #map}, {transform_indices = #map}, {transform_indices = #map}]} {
    %dma_start3A = arith.constant 0 : i32
    %dma_start3A_0 = tpu.memref_slice %arg6[%dma_start3A] : memref<16xf32, #tpu.memory_space<vmem>> -> memref<2xf32, #tpu.memory_space<vmem>>
    %dma_start3A_1 = arith.constant 0 : i32
    %dma_start3A_2 = tpu.memref_slice %arg6[%dma_start3A_1] : memref<16xf32, #tpu.memory_space<vmem>> -> memref<2xf32, #tpu.memory_space<vmem>>
    tpu.enqueue_dma source(%arg2 : memref<2xf32, #tpu.memory_space<hbm>>) target(%dma_start3A_2 : memref<2xf32, #tpu.memory_space<vmem>>) target_semaphore(%arg12 : memref<!tpu.dma_semaphore, #tpu.memory_space<semaphore_mem>>)
    tpu.enqueue_dma source(%arg3 : memref<32xf32, #tpu.memory_space<hbm>>) target(%arg7 : memref<32xf32, #tpu.memory_space<vmem>>) target_semaphore(%arg11 : memref<!tpu.dma_semaphore, #tpu.memory_space<semaphore_mem>>)
    %iota3A = tpu.iota {dimensions = array<i32: 0>} : vector<16xi32>
    %shift_right_arithmetic3A = arith.constant 1 : i32
    %shift_right_arithmetic3A_3 = vector.broadcast %shift_right_arithmetic3A : i32 to vector<16xi32>
    %shift_right_arithmetic3A_4 = arith.shrsi %iota3A, %shift_right_arithmetic3A_3 : vector<16xi32>
    %and3A = arith.constant 1 : i32
    %and3A_5 = vector.broadcast %and3A : i32 to vector<16xi32>
    %and3A_6 = arith.andi %iota3A, %and3A_5 : vector<16xi32>
    %add3A = arith.constant 0 : i32
    %add3A_7 = vector.broadcast %add3A : i32 to vector<16xi32>
    %add3A_8 = arith.addi %shift_right_arithmetic3A_4, %add3A_7 : vector<16xi32>
    %mul3A = arith.constant 1048576 : i32
    %mul3A_9 = vector.broadcast %mul3A : i32 to vector<16xi32>
    %mul3A_10 = arith.muli %add3A_8, %mul3A_9 : vector<16xi32>
    %shift_left3A = arith.constant 7 : i32
    %shift_left3A_11 = vector.broadcast %shift_left3A : i32 to vector<16xi32>
    %shift_left3A_12 = arith.shli %and3A_6, %shift_left3A_11 : vector<16xi32>
    %add3A_13 = arith.addi %mul3A_10, %shift_left3A_12 : vector<16xi32>
    %add3A_14 = arith.constant 8 : i32
    %add3A_15 = vector.broadcast %add3A_14 : i32 to vector<16xi32>
    %add3A_16 = arith.addi %shift_right_arithmetic3A_4, %add3A_15 : vector<16xi32>
    %mul3A_17 = arith.constant 1048576 : i32
    %mul3A_18 = vector.broadcast %mul3A_17 : i32 to vector<16xi32>
    %mul3A_19 = arith.muli %add3A_16, %mul3A_18 : vector<16xi32>
    %shift_left3A_20 = arith.constant 7 : i32
    %shift_left3A_21 = vector.broadcast %shift_left3A_20 : i32 to vector<16xi32>
    %shift_left3A_22 = arith.shli %and3A_6, %shift_left3A_21 : vector<16xi32>
    %add3A_23 = arith.addi %mul3A_19, %shift_left3A_22 : vector<16xi32>
    tpu.wait_dma2 semaphore(%arg11 : memref<!tpu.dma_semaphore, #tpu.memory_space<semaphore_mem>>) src(%arg3 : memref<32xf32, #tpu.memory_space<hbm>>) dst(%arg7 : memref<32xf32, #tpu.memory_space<vmem>>)
    %get3A = arith.constant 0 : index
    %get3A_24 = tpu.vector_load %arg7[%get3A] {strides = array<i32>} : memref<32xf32, #tpu.memory_space<vmem>>, vector<16xf32>,
    %get3A_25 = vector.shape_cast %get3A_24 : vector<16xf32> to vector<16xf32>
    %get3A_26 = arith.constant 16 : index
    %get3A_27 = tpu.vector_load %arg7[%get3A_26] {strides = array<i32>} : memref<32xf32, #tpu.memory_space<vmem>>, vector<16xf32>,
    %get3A_28 = vector.shape_cast %get3A_27 : vector<16xf32> to vector<16xf32>
    %dma_wait3A = arith.constant 0 : i32
    %dma_wait3A_29 = tpu.memref_slice %arg6[%dma_wait3A] : memref<16xf32, #tpu.memory_space<vmem>> -> memref<2xf32, #tpu.memory_space<vmem>>
    %dma_wait3A_30 = arith.constant 0 : i32
    %dma_wait3A_31 = tpu.memref_slice %arg6[%dma_wait3A_30] : memref<16xf32, #tpu.memory_space<vmem>> -> memref<2xf32, #tpu.memory_space<vmem>>
    tpu.wait_dma2 semaphore(%arg12 : memref<!tpu.dma_semaphore, #tpu.memory_space<semaphore_mem>>) src(%arg2 : memref<2xf32, #tpu.memory_space<hbm>>) dst(%dma_wait3A_31 : memref<2xf32, #tpu.memory_space<vmem>>)
    %get3A_32 = arith.constant 0 : index
    %get3A_33 = tpu.vector_load %arg6[%get3A_32] {strides = array<i32>} : memref<16xf32, #tpu.memory_space<vmem>>, vector<16xf32>,
    %get3A_34 = vector.shape_cast %get3A_33 : vector<16xf32> to vector<16xf32>
    %broadcast_in_dim3A = arith.constant 0 : i32
    %broadcast_in_dim3A_35 = vector.broadcast %broadcast_in_dim3A : i32 to vector<16x1xi32>
    %gather3A = vector.shape_cast %broadcast_in_dim3A_35 : vector<16x1xi32> to vector<16xi32>
    %gather3A_36 = tpu.dynamic_gather %get3A_34[%gather3A] in [0] : vector<16xf32>, vector<16xi32> -> vector<16xf32>
    %broadcast_in_dim3A_37 = arith.constant 1 : i32
    %broadcast_in_dim3A_38 = vector.broadcast %broadcast_in_dim3A_37 : i32 to vector<16x1xi32>
    %gather3A_39 = vector.shape_cast %broadcast_in_dim3A_38 : vector<16x1xi32> to vector<16xi32>
    %gather3A_40 = tpu.dynamic_gather %get3A_34[%gather3A_39] in [0] : vector<16xf32>, vector<16xi32> -> vector<16xf32>
    %mul3A_41 = arith.mulf %gather3A_36, %get3A_25 : vector<16xf32>
    %convert_element_type3A = arith.fptosi %mul3A_41 : vector<16xf32> to vector<16xi32>
    %mul3A_42 = arith.mulf %gather3A_40, %get3A_25 : vector<16xf32>
    %convert_element_type3A_43 = arith.fptosi %mul3A_42 : vector<16xf32> to vector<16xi32>
    %mul3A_44 = arith.constant 19349663 : i32
    %mul3A_45 = vector.broadcast %mul3A_44 : i32 to vector<16xi32>
    %mul3A_46 = arith.muli %convert_element_type3A_43, %mul3A_45 : vector<16xi32>
    %add3A_47 = arith.constant 1 : i32
    %add3A_48 = vector.broadcast %add3A_47 : i32 to vector<16xi32>
    %add3A_49 = arith.addi %convert_element_type3A_43, %add3A_48 : vector<16xi32>
    %mul3A_50 = arith.constant 19349663 : i32
    %mul3A_51 = vector.broadcast %mul3A_50 : i32 to vector<16xi32>
    %mul3A_52 = arith.muli %add3A_49, %mul3A_51 : vector<16xi32>
    %xor3A = arith.xori %convert_element_type3A, %mul3A_46 : vector<16xi32>
    %and3A_53 = arith.constant 524287 : i32
    %and3A_54 = vector.broadcast %and3A_53 : i32 to vector<16xi32>
    %and3A_55 = arith.andi %xor3A, %and3A_54 : vector<16xi32>
    %xor3A_56 = arith.xori %convert_element_type3A, %mul3A_52 : vector<16xi32>
    %and3A_57 = arith.constant 524287 : i32
    %and3A_58 = vector.broadcast %and3A_57 : i32 to vector<16xi32>
    %and3A_59 = arith.andi %xor3A_56, %and3A_58 : vector<16xi32>
    %add3A_60 = arith.constant 1 : i32
    %add3A_61 = vector.broadcast %add3A_60 : i32 to vector<16xi32>
    %add3A_62 = arith.addi %convert_element_type3A, %add3A_61 : vector<16xi32>
    %xor3A_63 = arith.xori %add3A_62, %mul3A_46 : vector<16xi32>
    %and3A_64 = arith.constant 524287 : i32
    %and3A_65 = vector.broadcast %and3A_64 : i32 to vector<16xi32>
    %and3A_66 = arith.andi %xor3A_63, %and3A_65 : vector<16xi32>
    %add3A_67 = arith.constant 1 : i32
    %add3A_68 = vector.broadcast %add3A_67 : i32 to vector<16xi32>
    %add3A_69 = arith.addi %convert_element_type3A, %add3A_68 : vector<16xi32>
    %xor3A_70 = arith.xori %add3A_69, %mul3A_52 : vector<16xi32>
    %and3A_71 = arith.constant 524287 : i32
    %and3A_72 = vector.broadcast %and3A_71 : i32 to vector<16xi32>
    %and3A_73 = arith.andi %xor3A_70, %and3A_72 : vector<16xi32>
    %shift_right_arithmetic3A_74 = arith.constant 7 : i32
    %shift_right_arithmetic3A_75 = vector.broadcast %shift_right_arithmetic3A_74 : i32 to vector<16xi32>
    %shift_right_arithmetic3A_76 = arith.shrsi %and3A_55, %shift_right_arithmetic3A_75 : vector<16xi32>
    %shift_left3A_77 = arith.constant 8 : i32
    %shift_left3A_78 = vector.broadcast %shift_left3A_77 : i32 to vector<16xi32>
    %shift_left3A_79 = arith.shli %shift_right_arithmetic3A_76, %shift_left3A_78 : vector<16xi32>
    %add3A_80 = arith.addi %add3A_13, %shift_left3A_79 : vector<16xi32>
    %and3A_81 = arith.constant 127 : i32
    %and3A_82 = vector.broadcast %and3A_81 : i32 to vector<16xi32>
    %and3A_83 = arith.andi %and3A_55, %and3A_82 : vector<16xi32>
    %add3A_84 = arith.addi %add3A_80, %and3A_83 : vector<16xi32>
    %swap3A = arith.constant 0 : index
    %swap3A_85 = tpu.vector_load %arg8[%swap3A] {strides = array<i32>} : memref<128xi32, #tpu.memory_space<vmem>>, vector<16xi32>,
    %swap3A_86 = vector.shape_cast %swap3A_85 : vector<16xi32> to vector<16xi32>
    %swap3A_87 = vector.shape_cast %add3A_84 : vector<16xi32> to vector<16xi32>
    tpu.vector_store %arg8[%swap3A], %swap3A_87 {strides = array<i32>} : memref<128xi32, #tpu.memory_space<vmem>>, vector<16xi32>,
    %shift_right_arithmetic3A_88 = arith.constant 7 : i32
    %shift_right_arithmetic3A_89 = vector.broadcast %shift_right_arithmetic3A_88 : i32 to vector<16xi32>
    %shift_right_arithmetic3A_90 = arith.shrsi %and3A_59, %shift_right_arithmetic3A_89 : vector<16xi32>
    %shift_left3A_91 = arith.constant 8 : i32
    %shift_left3A_92 = vector.broadcast %shift_left3A_91 : i32 to vector<16xi32>
    %shift_left3A_93 = arith.shli %shift_right_arithmetic3A_90, %shift_left3A_92 : vector<16xi32>
    %add3A_94 = arith.addi %add3A_13, %shift_left3A_93 : vector<16xi32>
    %and3A_95 = arith.constant 127 : i32
    %and3A_96 = vector.broadcast %and3A_95 : i32 to vector<16xi32>
    %and3A_97 = arith.andi %and3A_59, %and3A_96 : vector<16xi32>
    %add3A_98 = arith.addi %add3A_94, %and3A_97 : vector<16xi32>
    %swap3A_99 = arith.constant 32 : index
    %swap3A_100 = tpu.vector_load %arg8[%swap3A_99] {strides = array<i32>} : memref<128xi32, #tpu.memory_space<vmem>>, vector<16xi32>,
    %swap3A_101 = vector.shape_cast %swap3A_100 : vector<16xi32> to vector<16xi32>
    %swap3A_102 = vector.shape_cast %add3A_98 : vector<16xi32> to vector<16xi32>
    tpu.vector_store %arg8[%swap3A_99], %swap3A_102 {strides = array<i32>} : memref<128xi32, #tpu.memory_space<vmem>>, vector<16xi32>,
    %shift_right_arithmetic3A_103 = arith.constant 7 : i32
    %shift_right_arithmetic3A_104 = vector.broadcast %shift_right_arithmetic3A_103 : i32 to vector<16xi32>
    %shift_right_arithmetic3A_105 = arith.shrsi %and3A_66, %shift_right_arithmetic3A_104 : vector<16xi32>
    %shift_left3A_106 = arith.constant 8 : i32
    %shift_left3A_107 = vector.broadcast %shift_left3A_106 : i32 to vector<16xi32>
    %shift_left3A_108 = arith.shli %shift_right_arithmetic3A_105, %shift_left3A_107 : vector<16xi32>
    %add3A_109 = arith.addi %add3A_13, %shift_left3A_108 : vector<16xi32>
    %and3A_110 = arith.constant 127 : i32
    %and3A_111 = vector.broadcast %and3A_110 : i32 to vector<16xi32>
    %and3A_112 = arith.andi %and3A_66, %and3A_111 : vector<16xi32>
    %add3A_113 = arith.addi %add3A_109, %and3A_112 : vector<16xi32>
    %swap3A_114 = arith.constant 64 : index
    %swap3A_115 = tpu.vector_load %arg8[%swap3A_114] {strides = array<i32>} : memref<128xi32, #tpu.memory_space<vmem>>, vector<16xi32>,
    %swap3A_116 = vector.shape_cast %swap3A_115 : vector<16xi32> to vector<16xi32>
    %swap3A_117 = vector.shape_cast %add3A_113 : vector<16xi32> to vector<16xi32>
    tpu.vector_store %arg8[%swap3A_114], %swap3A_117 {strides = array<i32>} : memref<128xi32, #tpu.memory_space<vmem>>, vector<16xi32>,
    %shift_right_arithmetic3A_118 = arith.constant 7 : i32
    %shift_right_arithmetic3A_119 = vector.broadcast %shift_right_arithmetic3A_118 : i32 to vector<16xi32>
    %shift_right_arithmetic3A_120 = arith.shrsi %and3A_73, %shift_right_arithmetic3A_119 : vector<16xi32>
    %shift_left3A_121 = arith.constant 8 : i32
    %shift_left3A_122 = vector.broadcast %shift_left3A_121 : i32 to vector<16xi32>
    %shift_left3A_123 = arith.shli %shift_right_arithmetic3A_120, %shift_left3A_122 : vector<16xi32>
    %add3A_124 = arith.addi %add3A_13, %shift_left3A_123 : vector<16xi32>
    %and3A_125 = arith.constant 127 : i32
    %and3A_126 = vector.broadcast %and3A_125 : i32 to vector<16xi32>
    %and3A_127 = arith.andi %and3A_73, %and3A_126 : vector<16xi32>
    %add3A_128 = arith.addi %add3A_124, %and3A_127 : vector<16xi32>
    %swap3A_129 = arith.constant 96 : index
    %swap3A_130 = tpu.vector_load %arg8[%swap3A_129] {strides = array<i32>} : memref<128xi32, #tpu.memory_space<vmem>>, vector<16xi32>,
    %swap3A_131 = vector.shape_cast %swap3A_130 : vector<16xi32> to vector<16xi32>
    %swap3A_132 = vector.shape_cast %add3A_128 : vector<16xi32> to vector<16xi32>
    tpu.vector_store %arg8[%swap3A_129], %swap3A_132 {strides = array<i32>} : memref<128xi32, #tpu.memory_space<vmem>>, vector<16xi32>,
    %mul3A_133 = arith.mulf %gather3A_36, %get3A_28 : vector<16xf32>
    %convert_element_type3A_134 = arith.fptosi %mul3A_133 : vector<16xf32> to vector<16xi32>
    %mul3A_135 = arith.mulf %gather3A_40, %get3A_28 : vector<16xf32>
    %convert_element_type3A_136 = arith.fptosi %mul3A_135 : vector<16xf32> to vector<16xi32>
    %mul3A_137 = arith.constant 19349663 : i32
    %mul3A_138 = vector.broadcast %mul3A_137 : i32 to vector<16xi32>
    %mul3A_139 = arith.muli %convert_element_type3A_136, %mul3A_138 : vector<16xi32>
    %add3A_140 = arith.constant 1 : i32
    %add3A_141 = vector.broadcast %add3A_140 : i32 to vector<16xi32>
    %add3A_142 = arith.addi %convert_element_type3A_136, %add3A_141 : vector<16xi32>
    %mul3A_143 = arith.constant 19349663 : i32
    %mul3A_144 = vector.broadcast %mul3A_143 : i32 to vector<16xi32>
    %mul3A_145 = arith.muli %add3A_142, %mul3A_144 : vector<16xi32>
    %xor3A_146 = arith.xori %convert_element_type3A_134, %mul3A_139 : vector<16xi32>
    %and3A_147 = arith.constant 524287 : i32
    %and3A_148 = vector.broadcast %and3A_147 : i32 to vector<16xi32>
    %and3A_149 = arith.andi %xor3A_146, %and3A_148 : vector<16xi32>
    %xor3A_150 = arith.xori %convert_element_type3A_134, %mul3A_145 : vector<16xi32>
    %and3A_151 = arith.constant 524287 : i32
    %and3A_152 = vector.broadcast %and3A_151 : i32 to vector<16xi32>
    %and3A_153 = arith.andi %xor3A_150, %and3A_152 : vector<16xi32>
    %add3A_154 = arith.constant 1 : i32
    %add3A_155 = vector.broadcast %add3A_154 : i32 to vector<16xi32>
    %add3A_156 = arith.addi %convert_element_type3A_134, %add3A_155 : vector<16xi32>
    %xor3A_157 = arith.xori %add3A_156, %mul3A_139 : vector<16xi32>
    %and3A_158 = arith.constant 524287 : i32
    %and3A_159 = vector.broadcast %and3A_158 : i32 to vector<16xi32>
    %and3A_160 = arith.andi %xor3A_157, %and3A_159 : vector<16xi32>
    %add3A_161 = arith.constant 1 : i32
    %add3A_162 = vector.broadcast %add3A_161 : i32 to vector<16xi32>
    %add3A_163 = arith.addi %convert_element_type3A_134, %add3A_162 : vector<16xi32>
    %xor3A_164 = arith.xori %add3A_163, %mul3A_145 : vector<16xi32>
    %and3A_165 = arith.constant 524287 : i32
    %and3A_166 = vector.broadcast %and3A_165 : i32 to vector<16xi32>
    %and3A_167 = arith.andi %xor3A_164, %and3A_166 : vector<16xi32>
    %shift_right_arithmetic3A_168 = arith.constant 7 : i32
    %shift_right_arithmetic3A_169 = vector.broadcast %shift_right_arithmetic3A_168 : i32 to vector<16xi32>
    %shift_right_arithmetic3A_170 = arith.shrsi %and3A_149, %shift_right_arithmetic3A_169 : vector<16xi32>
    %shift_left3A_171 = arith.constant 8 : i32
    %shift_left3A_172 = vector.broadcast %shift_left3A_171 : i32 to vector<16xi32>
    %shift_left3A_173 = arith.shli %shift_right_arithmetic3A_170, %shift_left3A_172 : vector<16xi32>
    %add3A_174 = arith.addi %add3A_23, %shift_left3A_173 : vector<16xi32>
    %and3A_175 = arith.constant 127 : i32
    %and3A_176 = vector.broadcast %and3A_175 : i32 to vector<16xi32>
    %and3A_177 = arith.andi %and3A_149, %and3A_176 : vector<16xi32>
    %add3A_178 = arith.addi %add3A_174, %and3A_177 : vector<16xi32>
    %swap3A_179 = arith.constant 16 : index
    %swap3A_180 = tpu.vector_load %arg8[%swap3A_179] {strides = array<i32>} : memref<128xi32, #tpu.memory_space<vmem>>, vector<16xi32>,
    %swap3A_181 = vector.shape_cast %swap3A_180 : vector<16xi32> to vector<16xi32>
    %swap3A_182 = vector.shape_cast %add3A_178 : vector<16xi32> to vector<16xi32>
    tpu.vector_store %arg8[%swap3A_179], %swap3A_182 {strides = array<i32>} : memref<128xi32, #tpu.memory_space<vmem>>, vector<16xi32>,
    %shift_right_arithmetic3A_183 = arith.constant 7 : i32
    %shift_right_arithmetic3A_184 = vector.broadcast %shift_right_arithmetic3A_183 : i32 to vector<16xi32>
    %shift_right_arithmetic3A_185 = arith.shrsi %and3A_153, %shift_right_arithmetic3A_184 : vector<16xi32>
    %shift_left3A_186 = arith.constant 8 : i32
    %shift_left3A_187 = vector.broadcast %shift_left3A_186 : i32 to vector<16xi32>
    %shift_left3A_188 = arith.shli %shift_right_arithmetic3A_185, %shift_left3A_187 : vector<16xi32>
    %add3A_189 = arith.addi %add3A_23, %shift_left3A_188 : vector<16xi32>
    %and3A_190 = arith.constant 127 : i32
    %and3A_191 = vector.broadcast %and3A_190 : i32 to vector<16xi32>
    %and3A_192 = arith.andi %and3A_153, %and3A_191 : vector<16xi32>
    %add3A_193 = arith.addi %add3A_189, %and3A_192 : vector<16xi32>
    %swap3A_194 = arith.constant 48 : index
    %swap3A_195 = tpu.vector_load %arg8[%swap3A_194] {strides = array<i32>} : memref<128xi32, #tpu.memory_space<vmem>>, vector<16xi32>,
    %swap3A_196 = vector.shape_cast %swap3A_195 : vector<16xi32> to vector<16xi32>
    %swap3A_197 = vector.shape_cast %add3A_193 : vector<16xi32> to vector<16xi32>
    tpu.vector_store %arg8[%swap3A_194], %swap3A_197 {strides = array<i32>} : memref<128xi32, #tpu.memory_space<vmem>>, vector<16xi32>,
    %shift_right_arithmetic3A_198 = arith.constant 7 : i32
    %shift_right_arithmetic3A_199 = vector.broadcast %shift_right_arithmetic3A_198 : i32 to vector<16xi32>
    %shift_right_arithmetic3A_200 = arith.shrsi %and3A_160, %shift_right_arithmetic3A_199 : vector<16xi32>
    %shift_left3A_201 = arith.constant 8 : i32
    %shift_left3A_202 = vector.broadcast %shift_left3A_201 : i32 to vector<16xi32>
    %shift_left3A_203 = arith.shli %shift_right_arithmetic3A_200, %shift_left3A_202 : vector<16xi32>
    %add3A_204 = arith.addi %add3A_23, %shift_left3A_203 : vector<16xi32>
    %and3A_205 = arith.constant 127 : i32
    %and3A_206 = vector.broadcast %and3A_205 : i32 to vector<16xi32>
    %and3A_207 = arith.andi %and3A_160, %and3A_206 : vector<16xi32>
    %add3A_208 = arith.addi %add3A_204, %and3A_207 : vector<16xi32>
    %swap3A_209 = arith.constant 80 : index
    %swap3A_210 = tpu.vector_load %arg8[%swap3A_209] {strides = array<i32>} : memref<128xi32, #tpu.memory_space<vmem>>, vector<16xi32>,
    %swap3A_211 = vector.shape_cast %swap3A_210 : vector<16xi32> to vector<16xi32>
    %swap3A_212 = vector.shape_cast %add3A_208 : vector<16xi32> to vector<16xi32>
    tpu.vector_store %arg8[%swap3A_209], %swap3A_212 {strides = array<i32>} : memref<128xi32, #tpu.memory_space<vmem>>, vector<16xi32>,
    %shift_right_arithmetic3A_213 = arith.constant 7 : i32
    %shift_right_arithmetic3A_214 = vector.broadcast %shift_right_arithmetic3A_213 : i32 to vector<16xi32>
    %shift_right_arithmetic3A_215 = arith.shrsi %and3A_167, %shift_right_arithmetic3A_214 : vector<16xi32>
    %shift_left3A_216 = arith.constant 8 : i32
    %shift_left3A_217 = vector.broadcast %shift_left3A_216 : i32 to vector<16xi32>
    %shift_left3A_218 = arith.shli %shift_right_arithmetic3A_215, %shift_left3A_217 : vector<16xi32>
    %add3A_219 = arith.addi %add3A_23, %shift_left3A_218 : vector<16xi32>
    %and3A_220 = arith.constant 127 : i32
    %and3A_221 = vector.broadcast %and3A_220 : i32 to vector<16xi32>
    %and3A_222 = arith.andi %and3A_167, %and3A_221 : vector<16xi32>
    %add3A_223 = arith.addi %add3A_219, %and3A_222 : vector<16xi32>
    %swap3A_224 = arith.constant 112 : index
    %swap3A_225 = tpu.vector_load %arg8[%swap3A_224] {strides = array<i32>} : memref<128xi32, #tpu.memory_space<vmem>>, vector<16xi32>,
    %swap3A_226 = vector.shape_cast %swap3A_225 : vector<16xi32> to vector<16xi32>
    %swap3A_227 = vector.shape_cast %add3A_223 : vector<16xi32> to vector<16xi32>
    tpu.vector_store %arg8[%swap3A_224], %swap3A_227 {strides = array<i32>} : memref<128xi32, #tpu.memory_space<vmem>>, vector<16xi32>,
    %dma_start3A_228 = arith.constant 0 : i32
    %dma_start3A_229 = tpu.memref_slice %arg4[%dma_start3A_228] : memref<16777216xf32, #tpu.memory_space<hbm>> -> memref<16777216xf32, #tpu.memory_space<hbm>>
    tpu.enqueue_indirect_dma source(%dma_start3A_229 : memref<16777216xf32, #tpu.memory_space<hbm>>) target(%arg9 : memref<128xf32, #tpu.memory_space<vmem>>) offsets(%arg8 : memref<128xi32, #tpu.memory_space<vmem>>) semaphore(%arg11 : memref<!tpu.dma_semaphore, #tpu.memory_space<semaphore_mem>>)
    %div3A = arith.constant 1.000000e+00 : f32
    %div3A_230 = vector.broadcast %div3A : f32 to vector<16xf32>
    %div3A_231 = arith.divf %div3A_230, %get3A_25 : vector<16xf32>
    %convert_element_type3A_232 = arith.sitofp %convert_element_type3A : vector<16xi32> to vector<16xf32>
    %mul3A_233 = arith.mulf %convert_element_type3A_232, %div3A_231 : vector<16xf32>
    %convert_element_type3A_234 = arith.sitofp %convert_element_type3A_43 : vector<16xi32> to vector<16xf32>
    %mul3A_235 = arith.mulf %convert_element_type3A_234, %div3A_231 : vector<16xf32>
    %add3A_236 = arith.addf %mul3A_233, %div3A_231 : vector<16xf32>
    %add3A_237 = arith.addf %mul3A_235, %div3A_231 : vector<16xf32>
    %sub3A = arith.subf %add3A_236, %mul3A_233 : vector<16xf32>
    %sub3A_238 = arith.subf %add3A_237, %mul3A_235 : vector<16xf32>
    %sub3A_239 = arith.subf %add3A_236, %gather3A_36 : vector<16xf32>
    %div3A_240 = arith.divf %sub3A_239, %sub3A : vector<16xf32>
    %sub3A_241 = arith.subf %gather3A_36, %mul3A_233 : vector<16xf32>
    %div3A_242 = arith.divf %sub3A_241, %sub3A : vector<16xf32>
    %sub3A_243 = arith.subf %add3A_237, %gather3A_40 : vector<16xf32>
    %div3A_244 = arith.divf %sub3A_243, %sub3A_238 : vector<16xf32>
    %sub3A_245 = arith.subf %gather3A_40, %mul3A_235 : vector<16xf32>
    %div3A_246 = arith.divf %sub3A_245, %sub3A_238 : vector<16xf32>
    %div3A_247 = arith.constant 1.000000e+00 : f32
    %div3A_248 = vector.broadcast %div3A_247 : f32 to vector<16xf32>
    %div3A_249 = arith.divf %div3A_248, %get3A_28 : vector<16xf32>
    %convert_element_type3A_250 = arith.sitofp %convert_element_type3A_134 : vector<16xi32> to vector<16xf32>
    %mul3A_251 = arith.mulf %convert_element_type3A_250, %div3A_249 : vector<16xf32>
    %convert_element_type3A_252 = arith.sitofp %convert_element_type3A_136 : vector<16xi32> to vector<16xf32>
    %mul3A_253 = arith.mulf %convert_element_type3A_252, %div3A_249 : vector<16xf32>
    %add3A_254 = arith.addf %mul3A_251, %div3A_249 : vector<16xf32>
    %add3A_255 = arith.addf %mul3A_253, %div3A_249 : vector<16xf32>
    %sub3A_256 = arith.subf %add3A_254, %mul3A_251 : vector<16xf32>
    %sub3A_257 = arith.subf %add3A_255, %mul3A_253 : vector<16xf32>
    %sub3A_258 = arith.subf %add3A_254, %gather3A_36 : vector<16xf32>
    %div3A_259 = arith.divf %sub3A_258, %sub3A_256 : vector<16xf32>
    %sub3A_260 = arith.subf %gather3A_36, %mul3A_251 : vector<16xf32>
    %div3A_261 = arith.divf %sub3A_260, %sub3A_256 : vector<16xf32>
    %sub3A_262 = arith.subf %add3A_255, %gather3A_40 : vector<16xf32>
    %div3A_263 = arith.divf %sub3A_262, %sub3A_257 : vector<16xf32>
    %sub3A_264 = arith.subf %gather3A_40, %mul3A_253 : vector<16xf32>
    %div3A_265 = arith.divf %sub3A_264, %sub3A_257 : vector<16xf32>
    %dma_wait3A_266 = arith.constant 0 : i32
    %dma_wait3A_267 = tpu.memref_slice %arg4[%dma_wait3A_266] : memref<16777216xf32, #tpu.memory_space<hbm>> -> memref<16777216xf32, #tpu.memory_space<hbm>>
    tpu.wait_indirect_dma semaphore(%arg11 : memref<!tpu.dma_semaphore, #tpu.memory_space<semaphore_mem>>) src(%dma_wait3A_267 : memref<16777216xf32, #tpu.memory_space<hbm>>) dst(%arg9 : memref<128xf32, #tpu.memory_space<vmem>>)
    %get3A_268 = arith.constant 0 : index
    %get3A_269 = tpu.vector_load %arg9[%get3A_268] {strides = array<i32>} : memref<128xf32, #tpu.memory_space<vmem>>, vector<16xf32>,
    %get3A_270 = vector.shape_cast %get3A_269 : vector<16xf32> to vector<16xf32>
    %get3A_271 = arith.constant 32 : index
    %get3A_272 = tpu.vector_load %arg9[%get3A_271] {strides = array<i32>} : memref<128xf32, #tpu.memory_space<vmem>>, vector<16xf32>,
    %get3A_273 = vector.shape_cast %get3A_272 : vector<16xf32> to vector<16xf32>
    %get3A_274 = arith.constant 64 : index
    %get3A_275 = tpu.vector_load %arg9[%get3A_274] {strides = array<i32>} : memref<128xf32, #tpu.memory_space<vmem>>, vector<16xf32>,
    %get3A_276 = vector.shape_cast %get3A_275 : vector<16xf32> to vector<16xf32>
    %get3A_277 = arith.constant 96 : index
    %get3A_278 = tpu.vector_load %arg9[%get3A_277] {strides = array<i32>} : memref<128xf32, #tpu.memory_space<vmem>>, vector<16xf32>,
    %get3A_279 = vector.shape_cast %get3A_278 : vector<16xf32> to vector<16xf32>
    %mul3A_280 = arith.mulf %div3A_240, %get3A_270 : vector<16xf32>
    %mul3A_281 = arith.mulf %div3A_242, %get3A_276 : vector<16xf32>
    %add3A_282 = arith.addf %mul3A_280, %mul3A_281 : vector<16xf32>
    %mul3A_283 = arith.mulf %div3A_244, %add3A_282 : vector<16xf32>
    %mul3A_284 = arith.mulf %div3A_240, %get3A_273 : vector<16xf32>
    %mul3A_285 = arith.mulf %div3A_242, %get3A_279 : vector<16xf32>
    %add3A_286 = arith.addf %mul3A_284, %mul3A_285 : vector<16xf32>
    %mul3A_287 = arith.mulf %div3A_246, %add3A_286 : vector<16xf32>
    %add3A_288 = arith.addf %mul3A_283, %mul3A_287 : vector<16xf32>
    %swap3A_289 = arith.constant 0 : index
    %swap3A_290 = tpu.vector_load %arg10[%swap3A_289] {strides = array<i32>} : memref<32xf32, #tpu.memory_space<vmem>>, vector<16xf32>,
    %swap3A_291 = vector.shape_cast %swap3A_290 : vector<16xf32> to vector<16xf32>
    %swap3A_292 = vector.shape_cast %add3A_288 : vector<16xf32> to vector<16xf32>
    tpu.vector_store %arg10[%swap3A_289], %swap3A_292 {strides = array<i32>} : memref<32xf32, #tpu.memory_space<vmem>>, vector<16xf32>,
    %get3A_293 = arith.constant 16 : index
    %get3A_294 = tpu.vector_load %arg9[%get3A_293] {strides = array<i32>} : memref<128xf32, #tpu.memory_space<vmem>>, vector<16xf32>,
    %get3A_295 = vector.shape_cast %get3A_294 : vector<16xf32> to vector<16xf32>
    %get3A_296 = arith.constant 48 : index
    %get3A_297 = tpu.vector_load %arg9[%get3A_296] {strides = array<i32>} : memref<128xf32, #tpu.memory_space<vmem>>, vector<16xf32>,
    %get3A_298 = vector.shape_cast %get3A_297 : vector<16xf32> to vector<16xf32>
    %get3A_299 = arith.constant 80 : index
    %get3A_300 = tpu.vector_load %arg9[%get3A_299] {strides = array<i32>} : memref<128xf32, #tpu.memory_space<vmem>>, vector<16xf32>,
    %get3A_301 = vector.shape_cast %get3A_300 : vector<16xf32> to vector<16xf32>
    %get3A_302 = arith.constant 112 : index
    %get3A_303 = tpu.vector_load %arg9[%get3A_302] {strides = array<i32>} : memref<128xf32, #tpu.memory_space<vmem>>, vector<16xf32>,
    %get3A_304 = vector.shape_cast %get3A_303 : vector<16xf32> to vector<16xf32>
    %mul3A_305 = arith.mulf %div3A_259, %get3A_295 : vector<16xf32>
    %mul3A_306 = arith.mulf %div3A_261, %get3A_301 : vector<16xf32>
    %add3A_307 = arith.addf %mul3A_305, %mul3A_306 : vector<16xf32>
    %mul3A_308 = arith.mulf %div3A_263, %add3A_307 : vector<16xf32>
    %mul3A_309 = arith.mulf %div3A_259, %get3A_298 : vector<16xf32>
    %mul3A_310 = arith.mulf %div3A_261, %get3A_304 : vector<16xf32>
    %add3A_311 = arith.addf %mul3A_309, %mul3A_310 : vector<16xf32>
    %mul3A_312 = arith.mulf %div3A_265, %add3A_311 : vector<16xf32>
    %add3A_313 = arith.addf %mul3A_308, %mul3A_312 : vector<16xf32>
    %swap3A_314 = arith.constant 16 : index
    %swap3A_315 = tpu.vector_load %arg10[%swap3A_314] {strides = array<i32>} : memref<32xf32, #tpu.memory_space<vmem>>, vector<16xf32>,
    %swap3A_316 = vector.shape_cast %swap3A_315 : vector<16xf32> to vector<16xf32>
    %swap3A_317 = vector.shape_cast %add3A_313 : vector<16xf32> to vector<16xf32>
    tpu.vector_store %arg10[%swap3A_314], %swap3A_317 {strides = array<i32>} : memref<32xf32, #tpu.memory_space<vmem>>, vector<16xf32>,
    "tpu.region"() ({
      %run_scoped3A = tpu.sem_alloc : memref<!tpu.dma_semaphore, #tpu.memory_space<semaphore_mem>>
      tpu.enqueue_dma source(%arg10 : memref<32xf32, #tpu.memory_space<vmem>>) target(%arg5 : memref<32xf32, #tpu.memory_space<hbm>>) target_semaphore(%run_scoped3A : memref<!tpu.dma_semaphore, #tpu.memory_space<semaphore_mem>>)
      tpu.wait_dma2 semaphore(%run_scoped3A : memref<!tpu.dma_semaphore, #tpu.memory_space<semaphore_mem>>) src(%arg10 : memref<32xf32, #tpu.memory_space<vmem>>) dst(%arg5 : memref<32xf32, #tpu.memory_space<hbm>>)
      tpu.yield
    }) : () -> ()
    return
  }
}

</mosaic_0001>

<sc_bundles>
// kernel: kernel.4.cloned.1.call-start
scs
__scs_entry_jumppad:
0x0: {  	(pc) =	sbr.rel $0x88, $3  }
0x1: {  	(tag) =	ssettag $0x0;
	lr =	simm.s32 $0x1  }
0x2: {  	[smem:$0x3F9F] =	sst lr;
	_ =	strace $0xD0000000  }
0x3: {  	_ = 	snop  }
0x4: {  	_ = 	snop  }
0x5: {  	_ = 	snop  }
0x6: {  	_ = 	snop  }
0x7: {  	_ = 	snop  }
__scs_overlays_trampoline_lowered:
0x8: {  	[smem:$0x3FAE] =	sst s0  }
0x9: {  	[smem:$0x3FAF] =	sst s1  }
0xa: {  	[smem:$0x3FB0] =	sst s2  }
0xb: {  	[smem:$0x3FB1] =	sst s3  }
0xc: {  	[smem:$0x3FB2] =	sst s4  }
0xd: {  	[smem:$0x3FB3] =	sst s5  }
0xe: {  	[smem:$0x3FB4] =	sst s6  }
0xf: {  	[smem:$0x3FB5] =	sst s7  }
0x10: {  	[smem:$0x3FB6] =	sst s8  }
0x11: {  	[smem:$0x3FB7] =	sst s9;
	s0 =	simm.s32 @!p0 $0x0  }
0x12: {  	s1 =	sld [smem:$0x3F9D];
	s0 =	simm.s32 @p0 $0x1  }
0x13: {  	[smem:$0x3FB8] =	sst s0;
	s0 =	simm.s32 @!p1 $0x0  }
0x14: {  	s2 =	sld [smem:$0x3F9C];
	s0 =	simm.s32 @p1 $0x1  }
0x15: {  	[smem:$0x3FB9] =	sst s0;
	s0 =	simm.s32 @!p2 $0x0  }
0x16: {  	s3 =	sld [smem:$0x3FDB];
	s0 =	simm.s32 @p2 $0x1  }
0x17: {  	s4 =	simm.s32 $0x1BF5;
	[smem:$0x3FBB] =	sst s0  }
0x18: {  	s0 =	sld [smem:$0x3F9E];
	_ =	swait.ge [sflag:s4], $0x0  }
0x19: {  	s7 =	sld [smem:$0x3F9F]  }
0x1a: {  	s8 =	sadd.s32 $0xFFFFE003, lr  }
0x1b: {  	s9 =	sadd.s32 $0xFFFFFEF7, lr;
	s5 =	simm.s32 $0xFFFFFFFF;
	p2 =	slt.u32 s8, $0xFFFFF086  }
0x1c: {  	p1 =	slt.u32 s9, $0xF7A;
	s5 =	simm.s32 @!p2 $0x0  }
0x1d: {  	s5 =	simm.s32 @p1 $0x1;
	p0 =	seq.s32 s7, s2  }
0x1e: {  	s7 =	smul.u32 @!p0 $0xF7A, s2;
	p2 =	seq.s32 @!p0 s5, $0x0  }
0x1f: {  	s9 =	smul.u32 $0xF7A, s1;
	s8 =	simm.s32 @!p0 $0x1BF5;
	p2 =	por !p2, p0  }
0x20: {  	[sflag:s8] =	ssyncset.s32 @!p0 $0xFFFFF086;
	s6 =	sadd.s32 @!p0 s3, s7;
	s7 =	simm.s32 @!p0 $0x108  }
0x21: {  	s3 =	sadd.s32 s3, s9;
	s6 =	sadd.s32 @!p0 $0x88, s6;
	s7 =	simm.s32 @p2 $0x1082  }
0x22: {  	[simem:s7], [sflag:s8] =	dma.local @!p0 [hbm:s6], $0xF7A  }
0x23: {  	s9 =	sor.u32 $0xD0000000, s2;
	s6 =	simm.s32 $0x108;
	_ =	swait.ge @!p0 [sflag:s8], $0x0  }
0x24: {  	s3 =	sadd.s32 $0x88, s3;
	s6 =	simm.s32 @!p1 $0x1082;
	[sflag:s4] =	ssyncset.s32 $0xFFFFF086  }
0x25: {  	[simem:s6], [sflag:s4] =	dma.local [hbm:s3], $0xF7A  }
0x26: {  	[smem:$0x3F9F] =	sst s1;
	(tag) =	ssettag s2;
	_ =	strace s9  }
0x27: {  	s1 =	sld [smem:$0x3FAF]  }
0x28: {  	s2 =	sld [smem:$0x3FB0]  }
0x29: {  	s4 =	sld [smem:$0x3FB2]  }
0x2a: {  	p0 =	seq.s32 s5, $0x0;
	s5 =	sld [smem:$0x3FB3]  }
0x2b: {  	s6 =	sld [smem:$0x3FB4]  }
0x2c: {  	s7 =	sld [smem:$0x3FB5]  }
0x2d: {  	s3 =	simm.s32 $0x108;
	s8 =	sld [smem:$0x3FB6]  }
0x2e: {  	s3 =	simm.s32 @!p0 $0x1082;
	s9 =	sld [smem:$0x3FB7]  }
0x2f: {  	lr =	sadd.s32 s0, s3;
	s0 =	sld [smem:$0x3FAE]  }
0x30: {  	s3 =	sld [smem:$0x3FB1]  }
0x31: {  	[smem:$0x3FBA] =	sst s10  }
0x32: {  	s10 =	sld [smem:$0x3FB8];
	_ =	sdelay $0x3  }
0x33: {  	p0 =	seq.s32 s10, $0x1;
	s10 =	sld [smem:$0x3FBA];
	_ =	sdelay $0x3  }
0x34: {  	[smem:$0x3FBA] =	sst s10  }
0x35: {  	s10 =	sld [smem:$0x3FB9];
	_ =	sdelay $0x3  }
0x36: {  	p1 =	seq.s32 s10, $0x1;
	s10 =	sld [smem:$0x3FBA];
	_ =	sdelay $0x3  }
0x37: {  	[smem:$0x3FBA] =	sst s10  }
0x38: {  	s10 =	sld [smem:$0x3FBB]  }
0x39: {  	_ = 	snop;
	(pc) =	sbr.ind lr, $3  }
0x3a: {  	_ = 	snop  }
0x3b: {  	_ = 	snop  }
0x3c: {  	p2 =	seq.s32 s10, $0x1;
	s10 =	sld [smem:$0x3FBA]  }
0x3d: {  	_ =	shalt  }
0x3e: {  	_ =	shalt  }
0x3f: {  	_ =	shalt  }
0x40: {  	_ =	shalt  }
0x41: {  	_ =	shalt  }
0x42: {  	_ =	shalt  }
0x43: {  	_ =	shalt  }
0x44: {  	_ =	shalt  }
0x45: {  	_ =	shalt  }
0x46: {  	_ =	shalt  }
0x47: {  	_ =	shalt  }
0x48: {  	_ =	shalt  }
0x49: {  	_ =	shalt  }
0x4a: {  	_ =	shalt  }
0x4b: {  	_ =	shalt  }
0x4c: {  	_ =	shalt  }
0x4d: {  	_ =	shalt  }
0x4e: {  	_ =	shalt  }
0x4f: {  	_ =	shalt  }
0x50: {  	_ =	shalt  }
0x51: {  	_ =	shalt  }
0x52: {  	_ =	shalt  }
0x53: {  	_ =	shalt  }
0x54: {  	_ =	shalt  }
0x55: {  	_ =	shalt  }
0x56: {  	_ =	shalt  }
0x57: {  	_ =	shalt  }
0x58: {  	_ =	shalt  }
0x59: {  	_ =	shalt  }
0x5a: {  	_ =	shalt  }
0x5b: {  	_ =	shalt  }
0x5c: {  	_ =	shalt  }
0x5d: {  	_ =	shalt  }
0x5e: {  	_ =	shalt  }
0x5f: {  	_ =	shalt  }
0x60: {  	_ =	shalt  }
0x61: {  	_ =	shalt  }
0x62: {  	_ =	shalt  }
0x63: {  	_ =	shalt  }
0x64: {  	_ =	shalt  }
0x65: {  	_ =	shalt  }
0x66: {  	_ =	shalt  }
0x67: {  	_ =	shalt  }
0x68: {  	_ =	shalt  }
0x69: {  	_ =	shalt  }
0x6a: {  	_ =	shalt  }
0x6b: {  	_ =	shalt  }
0x6c: {  	_ =	shalt  }
0x6d: {  	_ =	shalt  }
0x6e: {  	_ =	shalt  }
0x6f: {  	_ =	shalt  }
0x70: {  	_ =	shalt  }
0x71: {  	_ =	shalt  }
0x72: {  	_ =	shalt  }
0x73: {  	_ =	shalt  }
0x74: {  	_ =	shalt  }
0x75: {  	_ =	shalt  }
0x76: {  	_ =	shalt  }
0x77: {  	_ =	shalt  }
0x78: {  	_ =	shalt  }
0x79: {  	_ =	shalt  }
0x7a: {  	_ =	shalt  }
0x7b: {  	_ =	shalt  }
0x7c: {  	_ =	shalt  }
0x7d: {  	_ =	shalt  }
0x7e: {  	_ =	shalt  }
0x7f: {  	_ =	shalt  }
0x80: {  	_ =	shalt  }
0x81: {  	_ =	shalt  }
0x82: {  	_ =	shalt  }
0x83: {  	_ =	shalt  }
0x84: {  	_ =	shalt  }
0x85: {  	_ =	shalt  }
0x86: {  	_ =	shalt  }
0x87: {  	_ =	shalt  }
.Lfunc_end0:
.L_simem_size_0:
called_computation_lowered:
.L_overlay_start_0:
0x88: {  	s0 =	sld [smem:$0x3FD9]  }
0x89: {  	s1 =	sld [smem:$0x3FFE];
	_ =	sdelay $0x3  }
0x8a: {  	s0 =	sadd.s32 s1, s0  }
0x8b: {  	[smem:$0x3FC6] =	sst s0  }
0x8c: {  	_ = 	snop  }
0x8d: {  	s0 =	sld [smem:$0x3FC9]  }
0x8e: {  	s16 =	sld [smem:$0x3FC8]  }
0x8f: {  	s2 =	sld [smem:$0x3FD0];
	(tm) =	ssettm $0x1  }
0x90: {  	s3 =	sld [smem:$0x3FFB];
	_ =	sdelay $0x3  }
0x91: {  	_ =	strace s3  }
0x92: {  	s3 =	sld [smem:$0x3FFC];
	_ =	sdelay $0x3  }
0x93: {  	_ =	strace s3  }
0x94: {  	s3 =	sld [smem:$0x3FFD];
	_ =	sdelay $0x3  }
0x95: {  	_ =	strace s3  }
0x96: {  	_ =	strace $0x8FFFFFFF  }
0x97: {  	s17 =	sld [smem:$0x3FDB];
	_ =	sdelay $0x1  }
0x98: {  	s4 =	simm.s32 $_scs_section_size  }
0x99: {  	s5 =	simm.s32 $_size__tile_overlayer_lowered;
	s6 =	simm.s32 $_tile_overlayer_lowered  }
0x9a: {  	s20 =	simm.s32 $0x1BFF;
	s19 =	sshll.u32 s6, $0x1;
	s3 =	sadd.s32 s4, s17  }
0x9b: {  	s7 =	simm.s32 $0x0;
	s18 =	sshll.u32 s5, $0x1;
	s5 =	sadd.s32 s19, s3  }
0x9c: {  	[timem:s7], [sflag:s20] =	dma.local [hbm:s5], s18  }
0x9d: {  	_ =	swait.ge [sflag:s20], s18  }
0x9e: {  	s4 =	ssub.s32 $0x0, s18;
	[sflag:s20] =	ssyncset.done $0x0  }
0x9f: {  	[sflag:s20] =	ssyncadd.s32 s4;
	_ =	sdelay $0x1  }
0xa0: {  	s21 =	simm.s32 $0x1B8B  }
0xa1: {  	_ =	swait.ge [sflag:s21], $0x1  }
0xa2: {  	[sflag:s21] =	ssyncset.done $0x0  }
0xa3: {  	s23 =	simm.s32 $0x1B8E;
	s22 =	sld [smem:$0x3FFE];
	[sflag:s21] =	ssyncadd.s32 $0xFFFFFFFF  }
0xa4: {  	s24 =	simm.s32 $execute0_lowered;
	[smem:$0x3FD2] =	sst s23  }
0xa5: {  	s5 =	sshll.u32 s24, $0x1;
	_ =	strace $0x80000046;
	[dreg:$0x1] =	wrdreg $0xFFFFFFFF  }
0xa6: {  	s25 =	simm.s32 $_size_execute0_lowered;
	s3 =	sadd.s32 s3, s5;
	[dreg:$0x0] =	wrdreg $0x0  }
0xa7: {  	s5 =	sshll.u32 s25, $0x1;
	[dreg:$0x2] =	wrdreg s3  }
0xa8: {  	[dreg:$0x3] =	wrdreg s5  }
0xa9: {  	[dreg:$0x4] =	wrdreg $0xC0  }
0xaa: {  	_ =	task [dreg:s7], $0x5FFFF  }
0xab: {  	[dreg:$0x1] =	wrdreg $0xFFFFFFFF  }
0xac: {  	[dreg:$0x0] =	wrdreg $0x60  }
0xad: {  	[dreg:$0x2] =	wrdreg s0  }
0xae: {  	[dreg:$0x3] =	wrdreg s22  }
0xaf: {  	[dreg:$0x4] =	wrdreg s16  }
0xb0: {  	[dreg:$0x5] =	wrdreg s2  }
0xb1: {  	[dreg:$0x6] =	wrdreg $0x9  }
0xb2: {  	_ =	task.clear_ibuf [dreg:s7], $0x7FFFF;
	_ =	strace $0x90000046  }
0xb3: {  	s26 =	simm.s32 $0x9;
	_ =	strace $0x80000048  }
0xb4: {  	_ =	swait.ge [sflag:s26], $0x1  }
0xb5: {  	[sflag:s26] =	ssyncadd.s32 $0xFFFFFFFF  }
0xb6: {  	_ =	strace $0x90000048  }
0xb7: {  	_ =	sfence  }
0xb8: {  	s28 =	sld [smem:$0x0];
	_ =	sdelay $0x1  }
0xb9: {  	s29 =	srdreg.scid  }
0xba: {  	s30 =	sshll.u32 s29, $0xD;
	s31 =	sshrl.u32 s29, $0x2  }
0xbb: {  	s1 =	sand.u32 $0x1, s29;
	s2 =	sand.u32 $0x4000, s30;
	s0 =	sadd.s32 s31, s28  }
0xbc: {  	s1 =	sor.u32 s2, s1;
	s0 =	sshll.u32 s0, $0x11  }
0xbd: {  	s0 =	sor.u32 s0, s1  }
0xbe: {  	s0 =	sadd.s32 $0x8F2B, s0  }
0xbf: {  	[sflag:s0] =	ssyncadd.remote.s32 $0x1  }
0xc0: {  	_ =	sfence.sel $0xFFFF  }
0xc1: {  	[dreg:$0x0] =	wrdreg $0xFFFFFFFF;
	(pc) =	sbr.abs _section_cstart, $3  }
0xc2: {  	[dreg:$0x1] =	wrdreg $0xFFFFFFFF  }
0xc3: {  	_ =	task.clear_ibuf [dreg:s7], $0x2FFFF;
	_ =	strace $0x9FFFFFFF  }
0xc4: {  	(tm) =	ssettm $0x7FFFFFFF  }
0xc5: {  	_ =	shalt  }
tec
execute0_lowered:
.L_overlay_start_1:
0x0: {  	(tag) =	ssettag $0x1  }
0x1: {  	s2 =	stileid.u32  }
0x2: {  	p0 =	sne.s32 s2, $0x0  }
.Ltmp0:
0x3: {  	s4 =	rddreg [dreg:$0x0];
	(pc) =	sbr.rel @p0 .LBB2_2-.Ltmp0, $4  }
0x4: {  	s5 =	rddreg [dreg:$0x1]  }
0x5: {  	s3 =	rddreg [dreg:$0x2]  }
0x6: {  	s1 =	rddreg [dreg:$0x3]  }
0x7: {  	s0 =	rddreg [dreg:$0x4];
	_ =	strace $0x80000047  }
0x8: {  	s2 =	simm.s32 $0x0  }
0x9: {  	[tilespmem:s2], [sflag:$0x2] =	stream.linear.gather [hbm4b:s4+s2], $0x2, $0x38;
	[tilespmem:$0x280] =	vst v63  }
0xa: {  	s25 =	sadd.s32 $0x400, s5;
	s26 =	simm.s32 $0x80;
	s28 =	simm.s32 $0x1  }
0xb: {  	[tilespmem:s26], [sflag:$0x1] =	stream.linear.gather [hbm4b:s25+s2], $0x80, $0x38;
	[tilespmem:$0x280] =	vst v63  }
0xc: {  	_ =	swait.ge [sflag:s28], $0x80  }
0xd: {  	[sflag:s28] =	ssyncset.done $0x0  }
0xe: {  	[sflag:s28] =	ssyncadd.s32 $0xFFFFFF80  }
0xf: {  	s6 =	simm.s32 $0x2;
	v2 =	vld [tilespmem:$0x80]  }
0x10: {  	v3 =	vld [tilespmem:$0x90];
	_ =	swait.ge [sflag:s6], $0x2  }
0x11: {  	[sflag:s6] =	ssyncset.done $0x0  }
0x12: {  	[sflag:s6] =	ssyncadd.s32 $0xFFFFFFFE  }
0x13: {  	v1 =	vld [tilespmem:$0x0];
	_ =	sdelay $0x2  }
0x14: {  	v0 =	vimm.s32 $0x1  }
0x15: {  	v4 =	vimm.s32 $0x0;
	v10 =	vimm.s32 $0x700080;
	vm14 =	vcmask $0x300  }
0x16: {  	vm12 =	vcmask $0x704;
	(erf) = vrcp.f32 v2;
	v0 =	vperm.xlane v1, v0  }
0x17: {  	vm10 =	vcmask $0xB08;
	vm13 =	vcmask $0xF0C;
	vm8 =	vcmask $0x1310  }
0x18: {  	vm11 =	vcmask $0x1714;
	v1 =	vperm.xlane v1, v4;
	v5 =	vmul.f32 v0, v2  }
0x19: {  	vm4 =	vcmask $0x1B18;
	vm9 =	vcmask $0x1F1C;
	vm5 =	vcmask $0x2320  }
0x1a: {  	vm2 =	vcmask $0x2724;
	v18 =	vmul.f32 v1, v2;
	v17 =	vtrunc.f32 v5  }
0x1b: {  	vm6 =	vcmask $0x2B28;
	vm1 =	vcmask $0x2F2C;
	v4 =	vcvt.f32.s32 v17  }
0x1c: {  	vm7 =	vcmask $0x3330;
	vm3 =	vcmask $0x3734;
	v5 =	vtrunc.f32 v18  }
0x1d: {  	vm0 =	vcmask $0x3B38;
	v5 =	vcvt.f32.s32 v5;
	v6 =	vmul.u32 $0x127409F, v4  }
0x1e: {  	v26 =	vimm.s32 $0xF00080;
	v20 =	vsel vm14, $0x0, v10;
	v4 =	vcvt.s32.f32 v4  }
0x1f: {  	v25 =	vmul.f32 v1, v3;
	v22 =	vpop (erf);
	v9 =	vadd.s32 $0x1, v5;
	v7 =	vadd.s32 $0x127409F, v6  }
0x20: {  	v19 =	vxor.u32 v5, v6;
	v6 =	vxor.u32 v9, v6;
	v4 =	vmul.f32 v4, v22  }
0x21: {  	v8 =	vxor.u32 v5, v7;
	v7 =	vxor.u32 v9, v7;
	v5 =	vcvt.s32.f32 v5  }
0x22: {  	v21 =	vshll.u32 v19, $0x1;
	v9 =	vsel vm12, $0x80, v20;
	v2 =	vand.u32 $0x7F, v19  }
0x23: {  	v24 =	vshll.u32 v6, $0x1;
	v6 =	vand.u32 $0x7F, v6;
	v5 =	vmul.f32 v5, v22  }
0x24: {  	v10 =	vand.u32 $0xFFF00, v21;
	v9 =	vsel vm10, $0x100000, v9;
	v23 =	vshll.u32 v8, $0x1  }
0x25: {  	v8 =	vand.u32 $0x7F, v8;
	v9 =	vsel vm13, $0x100080, v9;
	v11 =	vadd.f32 v5, v22  }
0x26: {  	v2 =	vor.u32 v10, v2;
	v10 =	vadd.f32 v4, v22;
	v9 =	vsel vm8, $0x200000, v9  }
0x27: {  	v14 =	vshll.u32 v7, $0x1;
	v9 =	vsel vm11, $0x200080, v9;
	v12 =	vsub.f32 v11, v5  }
0x28: {  	v7 =	vand.u32 $0x7F, v7;
	v13 =	vsub.f32 v10, v4;
	v9 =	vsel vm4, $0x300000, v9  }
0x29: {  	v14 =	vand.u32 $0xFFF00, v14;
	v9 =	vsel vm9, $0x300080, v9;
	(erf) = vrcp.f32 v12  }
0x2a: {  	v7 =	vor.u32 v14, v7;
	v9 =	vsel vm5, $0x400000, v9;
	(erf) = vrcp.f32 v13  }
0x2b: {  	v9 =	vsel vm2, $0x400080, v9;
	v12 =	vand.u32 $0xFFF00, v23;
	(erf) = vrcp.f32 v3  }
0x2c: {  	v9 =	vsel vm6, $0x500000, v9;
	v8 =	vor.u32 v12, v8;
	v12 =	vand.u32 $0xFFF00, v24  }
0x2d: {  	v13 =	vsel vm14, $0x800000, v26;
	v9 =	vsel vm1, $0x500080, v9;
	v6 =	vor.u32 v12, v6  }
0x2e: {  	v3 =	vmul.f32 v0, v3;
	v12 =	vtrunc.f32 v25;
	v13 =	vsel vm12, $0x800080, v13  }
0x2f: {  	v9 =	vsel vm7, $0x600000, v9;
	v12 =	vcvt.f32.s32 v12;
	v13 =	vsel vm10, $0x900000, v13  }
0x30: {  	v9 =	vsel vm3, $0x600080, v9;
	v3 =	vtrunc.f32 v3;
	v13 =	vsel vm13, $0x900080, v13  }
0x31: {  	v9 =	vsel vm0, $0x700000, v9;
	v3 =	vcvt.f32.s32 v3;
	v16 =	vcvt.s32.f32 v12  }
0x32: {  	v13 =	vsel vm8, $0xA00000, v13;
	v19 =	vadd.s32 $0x1, v12;
	v2 =	vor.u32 v9, v2;
	v15 =	vpop (erf)  }
0x33: {  	v8 =	vor.u32 v9, v8;
	v6 =	vor.u32 v9, v6;
	v13 =	vsel vm11, $0xA00080, v13;
	v27 =	vpop (erf)  }
0x34: {  	v28 =	vmul.u32 $0x127409F, v3;
	v3 =	vcvt.s32.f32 v3;
	v13 =	vsel vm4, $0xB00000, v13;
	v17 =	vpop (erf)  }
0x35: {  	v7 =	vor.u32 v9, v7;
	v13 =	vsel vm9, $0xB00080, v13;
	v16 =	vmul.f32 v16, v17  }
0x36: {  	v18 =	vadd.s32 $0x127409F, v28;
	v21 =	vxor.u32 v12, v28;
	v3 =	vmul.f32 v3, v17  }
0x37: {  	v9 =	vxor.u32 v19, v28;
	v13 =	vsel vm5, $0xC00000, v13;
	v20 =	vadd.f32 v16, v17  }
0x38: {  	v12 =	vxor.u32 v12, v18;
	v18 =	vxor.u32 v19, v18;
	v17 =	vadd.f32 v3, v17  }
0x39: {  	v13 =	vsel vm2, $0xC00080, v13;
	v29 =	vshll.u32 v21, $0x1;
	v22 =	vsub.f32 v20, v16  }
0x3a: {  	v21 =	vand.u32 $0x7F, v21;
	v37 =	vshll.u32 v9, $0x1;
	v30 =	vsub.f32 v17, v3  }
0x3b: {  	v9 =	vand.u32 $0x7F, v9;
	v13 =	vsel vm6, $0xD00000, v13;
	(erf) = vrcp.f32 v22  }
0x3c: {  	v19 =	vand.u32 $0xFFF00, v29;
	v13 =	vsel vm1, $0xD00080, v13;
	(erf) = vrcp.f32 v30  }
0x3d: {  	[tilespmem:$0x100] =	vst v2;
	v31 =	vshll.u32 v12, $0x1;
	v12 =	vand.u32 $0x7F, v12;
	v13 =	vsel vm7, $0xE00000, v13  }
0x3e: {  	[tilespmem:$0x120] =	vst v8;
	v38 =	vand.u32 $0xFFF00, v37;
	v39 =	vshll.u32 v18, $0x1;
	v32 =	vsel vm3, $0xE00080, v13  }
0x3f: {  	[tilespmem:$0x140] =	vst v6;
	v33 =	vand.u32 $0xFFF00, v31;
	v34 =	vor.u32 v19, v21;
	v2 =	vsel vm0, $0xF00000, v32  }
0x40: {  	[tilespmem:$0x160] =	vst v7;
	v42 =	vand.u32 $0x7F, v18;
	v12 =	vor.u32 v33, v12;
	v35 =	vor.u32 v2, v34  }
0x41: {  	v40 =	vor.u32 v38, v9;
	v41 =	vand.u32 $0xFFF00, v39;
	v36 =	vor.u32 v2, v12;
	[tilespmem:$0x110] =	vst v35  }
0x42: {  	v7 =	vor.u32 v41, v42;
	v6 =	vor.u32 v2, v40;
	[tilespmem:$0x130] =	vst v36  }
0x43: {  	v2 =	vor.u32 v2, v7;
	[tilespmem:$0x150] =	vst v6  }
0x44: {  	s29 =	simm.s32 $0x100;
	s7 =	simm.s32 $0x180;
	[tilespmem:$0x170] =	vst v2;
	v43 =	vpop (erf)  }
0x45: {  	[tilespmem:s7], [sflag:$0x1] =	stream.indirect.gather [hbm4b:s3+s26], $0x1, s29, s26, $0xb8;
	v44 =	vpop (erf);
	[tilespmem:$0x280] =	vst v63  }
0x46: {  	_ =	swait.ge [sflag:s28], $0x80  }
0x47: {  	[sflag:s28] =	ssyncset.done $0x0  }
0x48: {  	[sflag:s28] =	ssyncadd.s32 $0xFFFFFF80  }
0x49: {  	v45 =	vld [tilespmem:$0x180]  }
0x4a: {  	v46 =	vld [tilespmem:$0x1A0]  }
0x4b: {  	v47 =	vld [tilespmem:$0x1C0]  }
0x4c: {  	v11 =	vsub.f32 v11, v1;
	v48 =	vld [tilespmem:$0x1E0]  }
0x4d: {  	v5 =	vsub.f32 v1, v5;
	v49 =	vld [tilespmem:$0x190]  }
0x4e: {  	v10 =	vsub.f32 v10, v0;
	v4 =	vsub.f32 v0, v4;
	v11 =	vmul.f32 v15, v11;
	v50 =	vld [tilespmem:$0x1B0]  }
0x4f: {  	v5 =	vmul.f32 v15, v5;
	v51 =	vsub.f32 v20, v1;
	v1 =	vsub.f32 v1, v16;
	v52 =	vld [tilespmem:$0x1D0]  }
0x50: {  	v10 =	vmul.f32 v27, v10;
	v4 =	vmul.f32 v27, v4;
	v53 =	vld [tilespmem:$0x1F0]  }
0x51: {  	v15 =	vmul.f32 v43, v51;
	v1 =	vmul.f32 v43, v1  }
0x52: {  	v54 =	vmul.f32 v45, v11;
	v55 =	vmul.f32 v46, v11  }
0x53: {  	v56 =	vmul.f32 v47, v5;
	v5 =	vmul.f32 v48, v5  }
0x54: {  	v59 =	vsub.f32 v17, v0;
	v57 =	vmul.f32 v49, v15;
	v58 =	vmul.f32 v50, v15  }
0x55: {  	v0 =	vsub.f32 v0, v3;
	v60 =	vmul.f32 v52, v1;
	v1 =	vmul.f32 v53, v1  }
0x56: {  	v12 =	vmul.f32 v44, v59;
	v6 =	vadd.f32 v56, v54;
	v5 =	vadd.f32 v5, v55  }
0x57: {  	v0 =	vmul.f32 v44, v0;
	v61 =	vadd.f32 v60, v57;
	v1 =	vadd.f32 v1, v58  }
0x58: {  	v62 =	vmul.f32 v6, v10;
	v4 =	vmul.f32 v5, v4  }
0x59: {  	v2 =	vmul.f32 v61, v12;
	v0 =	vmul.f32 v1, v0  }
0x5a: {  	v63 =	vadd.f32 v4, v62  }
0x5b: {  	v0 =	vadd.f32 v0, v2  }
0x5c: {  	[tilespmem:$0x200] =	vst v63  }
0x5d: {  	s30 =	simm.s32 $0x200;
	s31 =	simm.s32 $0x3;
	[tilespmem:$0x210] =	vst v0  }
0x5e: {  	[hbm4b:s1+s2] =	stream.linear.scatter [tilespmem:s30], [sflag:$0x3], $0x80, $0x38;
	[tilespmem:$0x280] =	vst v63  }
0x5f: {  	_ =	swait.ge [sflag:s31], $0x80  }
0x60: {  	[sflag:s31] =	ssyncset.done $0x0  }
0x61: {  	[sflag:s31] =	ssyncadd.s32 $0xFFFFFF80  }
.LBB2_2:
0x62: {  	_ =	sfence.sel $0x180000  }
0x63: {  	[bflag:$0x0] =	sbarrier.arrive $0xFFFF  }
0x64: {  	_ =	strace $0x90000047  }
0x65: {  	s0 =	sadd.s32 @!p0 $0x100000, s0;
	[bflag:$0x2] =	sbarrier.arrive $0xFFFF  }
0x66: {  	[sflag:s0] =	ssyncadd.tile.s32 @!p0 $0x1;
	_ =	shalt  }
.Lfunc_end2:
_tile_overlayer_lowered:
.L_overlay_start_2:
0x67: {  	(tag) =	ssettag $0x2  }
0x68: {  	s0 =	rddreg [dreg:$0x0];
	s2 =	stileid.u32  }
0x69: {  	s1 =	rddreg [dreg:$0x1];
	p0 =	sne.s32 s2, $0x0  }
0x6a: {  	s3 =	rddreg [dreg:$0x2];
	[bflag:$0x3] =	sbarrier.arrive $0xFFFF;
	s2 =	simm.s32 @!p0 $0x1C03  }
0x6b: {  	[timem:s3], [sflag:s2] =	dma.local @!p0 [hbm:s0], s1  }
0x6c: {  	s0 =	simm.s32 @!p0 $0x3  }
0x6d: {  	_ =	swait.ge @!p0 [sflag:s0], s1  }
0x6e: {  	s1 =	ssub.s32 @!p0 $0x0, s1;
	[sflag:s0] =	ssyncset.done @!p0 $0x0  }
0x6f: {  	[sflag:s0] =	ssyncadd.s32 @!p0 s1  }
0x70: {  	[bflag:$0x3] =	sbarrier.arrive $0xFFFF  }
0x71: {  	_ =	shalt  }

</sc_bundles>
